<compile_context>
chip_gen: v7x
topology: tpu7x:2x2x1
jax: 0.10.2.dev20260603
libtpu: 0.0.44.dev20260713+nightly
codegen_flags: <defaults>
</compile_context>

<pallas_src>
import functools

import jax
import jax.numpy as jnp
from jax import lax
from jax.experimental import pallas as pl
from jax.experimental.pallas import tpu as pltpu
from jax.experimental.pallas import tpu_sc as plsc

_TOPK = 8
_BLOCK_T = 4096


def _logits_body(x_ref, emb_ref, w_ref, b_ref, out_ref):
    xb = x_ref[...] + emb_ref[...]
    logits_t = jax.lax.dot_general(
        w_ref[...], xb, (((0,), (1,)), ((), ())),
        preferred_element_type=jnp.float32,
    ) + b_ref[...]
    e, t = logits_t.shape
    tw = out_ref.shape[2]
    for j in range(t // tw):
        out_ref[j] = logits_t[:, j * tw:(j + 1) * tw]


def _sc_topk(logits_g, n, e, tw):
    mesh = plsc.VectorSubcoreMesh(core_axis_name="c", subcore_axis_name="s")

    @functools.partial(
        pl.kernel,
        out_type=[
            jax.ShapeDtypeStruct((n, _TOPK), jnp.float32),
            jax.ShapeDtypeStruct((n, _TOPK), jnp.int32),
        ],
        mesh=mesh,
        compiler_params=pltpu.CompilerParams(
            use_tc_tiling_on_sc=False, needs_layout_passes=False,
        ),
        scratch_types=[
            pltpu.VMEM((e, tw), jnp.float32),
            pltpu.VMEM((tw, _TOPK), jnp.float32),
            pltpu.VMEM((tw, _TOPK), jnp.int32),
        ],
    )
    def run(lg_hbm, wout_hbm, iout_hbm, lg_v, w_v, i_v):
        info = plsc.get_sparse_core_info()
        nc = info.num_cores
        wid = lax.axis_index("s") * nc + lax.axis_index("c")
        pltpu.sync_copy(lg_hbm.at[wid], lg_v)

        lane = lax.iota(jnp.int32, 16)
        mask8 = lane < _TOPK
        qidx = [lane + jnp.int32(q * 16) for q in range(e // 16)]

        def merge(ak, av, bk, bv):
            rbk = lax.rev(bk, (0,))
            rbv = lax.rev(bv, (0,))
            m = ak > rbk
            return jnp.where(m, ak, rbk), jnp.where(m, av, rbv)

        def body(t, carry):
            trow = jnp.full((16,), t, jnp.int32)
            parts = []
            for q in range(e // 16):
                v = plsc.load_gather(lg_v, [qidx[q], trow])
                parts.append(plsc.sort_key_val(v, qidx[q], descending=True))
            k01, v01 = merge(*parts[0], *parts[1])
            k23, v23 = merge(*parts[2], *parts[3])
            s01 = plsc.sort_key_val(k01, v01, descending=True)
            s23 = plsc.sort_key_val(k23, v23, descending=True)
            kf, vf = merge(*s01, *s23)
            fk, fi = plsc.sort_key_val(kf, vf, descending=True)
            mx = jnp.max(fk)
            ev = jnp.where(mask8, jnp.exp(fk - mx), jnp.float32(0.0))
            w = ev / jnp.sum(ev)
            plsc.store_scatter(w_v, [trow, lane], w, mask=mask8)
            plsc.store_scatter(i_v, [trow, lane], fi, mask=mask8)
            return carry

        lax.fori_loop(0, tw, body, 0)
        base = wid * tw
        pltpu.sync_copy(w_v, wout_hbm.at[pl.ds(base, tw)])
        pltpu.sync_copy(i_v, iout_hbm.at[pl.ds(base, tw)])

    return run(logits_g)


def kernel(x, scale_embeddings, W, b, scale_idx):
    batch, seq, d = x.shape
    e = W.shape[-1]
    n = batch * seq
    tw = 1024
    nw = n // tw
    n_emb = scale_embeddings.shape[0]
    row = jnp.clip(scale_idx, 0, n_emb - 1)
    emb = jnp.where(
        scale_idx >= 0,
        jax.lax.dynamic_index_in_dim(scale_embeddings, row, 0, keepdims=False),
        jnp.zeros((d,), scale_embeddings.dtype),
    )
    x2 = x.reshape(n, d)
    wpb = _BLOCK_T // tw
    logits_g = pl.pallas_call(
        _logits_body,
        grid=(n // _BLOCK_T,),
        compiler_params=pltpu.CompilerParams(
            dimension_semantics=("arbitrary",),
        ),
        in_specs=[
            pl.BlockSpec((_BLOCK_T, d), lambda i: (i, 0)),
            pl.BlockSpec((1, d), lambda i: (0, 0)),
            pl.BlockSpec((d, e), lambda i: (0, 0)),
            pl.BlockSpec((e, 1), lambda i: (0, 0)),
        ],
        out_specs=pl.BlockSpec((wpb, e, tw), lambda i: (i, 0, 0)),
        out_shape=jax.ShapeDtypeStruct((nw, e, tw), jnp.float32),
    )(x2, emb.reshape(1, d), W, b.reshape(e, 1))
    wout, iout = _sc_topk(logits_g, n, e, tw)
    return wout.reshape(batch, seq, _TOPK), iout.reshape(batch, seq, _TOPK)

# --- scband reference (transcript-rebuilt; emitter-appended) ---
"""Pipeline reference for scband-scale-aware-router-88527865905617 (READ-ONLY COPY).

The authoritative reference and input builder live on the scoring server;
editing this copy changes nothing except your own understanding.
"""

import jax, jax.numpy as jnp
import numpy as np

TOP_K = 8

def setup_inputs(seed: int = 0) -> dict:
    key = jax.random.key(seed)
    k1, k2, k3 = jax.random.split(key, 3)
    x = jax.random.normal(k1, (4, 8192, 768), dtype=jnp.float32)
    scale_embeddings = jax.random.normal(k2, (10, 768), dtype=jnp.float32) * 0.02
    W = jax.random.normal(k3, (768, 64), dtype=jnp.float32) * (1.0 / np.sqrt(768))
    b = jnp.zeros((64,), dtype=jnp.float32)
    return {"x": x, "scale_embeddings": scale_embeddings, "W": W, "b": b, "scale_idx": 3}

def reference(x, scale_embeddings, W, b, scale_idx):
    # scale conditioning (jitter=0.0 and temperature=1.0, so those branches are no-ops)
    scale_emb = scale_embeddings[scale_idx]
    x = jnp.where(scale_idx >= 0, x + scale_emb[None, None, :], x)
    router_logits = jnp.einsum('bsd,de->bse', x, W) + b
    routing_weights, routing_indices = jax.lax.top_k(router_logits, TOP_K)
    routing_weights = jax.nn.softmax(routing_weights, axis=-1)
    return (routing_weights, routing_indices)

if __name__ == "__main__":
    import jax
    _d = setup_inputs()
    print(jax.jit(kernel)(*tuple(_d.values())))

</pallas_src>

<mosaic_0001>
#map = affine_map<(d0, d1) -> (0, 0, 0)>
#map1 = affine_map<(d0, d1) -> (0, 0)>
module attributes {stable_mosaic.version = 14 : i64} {
  func.func @run(%arg0: i32, %arg1: i32, %arg2: memref<32x64x1024xf32, #tpu.memory_space<hbm>>, %arg3: memref<32768x8xf32, #tpu.memory_space<hbm>>, %arg4: memref<32768x8xi32, #tpu.memory_space<hbm>>, %arg5: memref<64x1024xf32, #tpu.memory_space<vmem>>, %arg6: memref<1024x8xf32, #tpu.memory_space<vmem>>, %arg7: memref<1024x8xi32, #tpu.memory_space<vmem>>) attributes {dimension_semantics = [#tpu.dimension_semantics<core_parallel>, #tpu.dimension_semantics<subcore_parallel>], iteration_bounds = array<i64: 2, 16>, scalar_prefetch = 0 : i64, scratch_operands = 3 : i64, tpu.core_type = #tpu.core_type<sc_vector_subcore>, window_params = [{transform_indices = #map}, {transform_indices = #map1}, {transform_indices = #map1}]} {
    %mul3A = arith.constant 2 : i32
    %mul3A_0 = arith.muli %arg1, %mul3A : i32
    %add3A = arith.addi %mul3A_0, %arg0 : i32
    "tpu.region"() ({
      %run_scoped3A = tpu.sem_alloc : memref<!tpu.dma_semaphore, #tpu.memory_space<semaphore_mem>>
      %dma_start3A = arith.constant 0 : i32
      %dma_start3A_22 = arith.constant 0 : i32
      %dma_start3A_23 = tpu.memref_slice %arg2[%add3A, %dma_start3A, %dma_start3A_22] : memref<32x64x1024xf32, #tpu.memory_space<hbm>> -> memref<1x64x1024xf32, #tpu.memory_space<hbm>>
      %dma_start3A_24 = tpu.memref_squeeze %dma_start3A_23 : memref<1x64x1024xf32, #tpu.memory_space<hbm>> -> memref<64x1024xf32, #tpu.memory_space<hbm>>
      %dma_start3A_25 = arith.constant 0 : i32
      %dma_start3A_26 = arith.constant 0 : i32
      %dma_start3A_27 = tpu.memref_slice %arg2[%add3A, %dma_start3A_25, %dma_start3A_26] : memref<32x64x1024xf32, #tpu.memory_space<hbm>> -> memref<1x64x1024xf32, #tpu.memory_space<hbm>>
      %dma_start3A_28 = tpu.memref_squeeze %dma_start3A_27 : memref<1x64x1024xf32, #tpu.memory_space<hbm>> -> memref<64x1024xf32, #tpu.memory_space<hbm>>
      tpu.enqueue_dma source(%dma_start3A_28 : memref<64x1024xf32, #tpu.memory_space<hbm>>) target(%arg5 : memref<64x1024xf32, #tpu.memory_space<vmem>>) target_semaphore(%run_scoped3A : memref<!tpu.dma_semaphore, #tpu.memory_space<semaphore_mem>>)
      %dma_wait3A = arith.constant 0 : i32
      %dma_wait3A_29 = arith.constant 0 : i32
      %dma_wait3A_30 = tpu.memref_slice %arg2[%add3A, %dma_wait3A, %dma_wait3A_29] : memref<32x64x1024xf32, #tpu.memory_space<hbm>> -> memref<1x64x1024xf32, #tpu.memory_space<hbm>>
      %dma_wait3A_31 = tpu.memref_squeeze %dma_wait3A_30 : memref<1x64x1024xf32, #tpu.memory_space<hbm>> -> memref<64x1024xf32, #tpu.memory_space<hbm>>
      %dma_wait3A_32 = arith.constant 0 : i32
      %dma_wait3A_33 = arith.constant 0 : i32
      %dma_wait3A_34 = tpu.memref_slice %arg2[%add3A, %dma_wait3A_32, %dma_wait3A_33] : memref<32x64x1024xf32, #tpu.memory_space<hbm>> -> memref<1x64x1024xf32, #tpu.memory_space<hbm>>
      %dma_wait3A_35 = tpu.memref_squeeze %dma_wait3A_34 : memref<1x64x1024xf32, #tpu.memory_space<hbm>> -> memref<64x1024xf32, #tpu.memory_space<hbm>>
      tpu.wait_dma2 semaphore(%run_scoped3A : memref<!tpu.dma_semaphore, #tpu.memory_space<semaphore_mem>>) src(%dma_wait3A_35 : memref<64x1024xf32, #tpu.memory_space<hbm>>) dst(%arg5 : memref<64x1024xf32, #tpu.memory_space<vmem>>)
      tpu.yield
    }) : () -> ()
    %iota3A = tpu.iota {dimensions = array<i32: 0>} : vector<16xi32>
    %lt3A = arith.constant 8 : i32
    %lt3A_1 = vector.broadcast %lt3A : i32 to vector<16xi32>
    %lt3A_2 = arith.cmpi slt, %iota3A, %lt3A_1 : vector<16xi32>
    %add3A_3 = arith.constant 0 : i32
    %add3A_4 = vector.broadcast %add3A_3 : i32 to vector<16xi32>
    %add3A_5 = arith.addi %iota3A, %add3A_4 : vector<16xi32>
    %add3A_6 = arith.constant 16 : i32
    %add3A_7 = vector.broadcast %add3A_6 : i32 to vector<16xi32>
    %add3A_8 = arith.addi %iota3A, %add3A_7 : vector<16xi32>
    %add3A_9 = arith.constant 32 : i32
    %add3A_10 = vector.broadcast %add3A_9 : i32 to vector<16xi32>
    %add3A_11 = arith.addi %iota3A, %add3A_10 : vector<16xi32>
    %add3A_12 = arith.constant 48 : i32
    %add3A_13 = vector.broadcast %add3A_12 : i32 to vector<16xi32>
    %add3A_14 = arith.addi %iota3A, %add3A_13 : vector<16xi32>
    %scan3A = arith.constant 0 : i32
    %scan3A_15 = arith.constant 0 : i32
    %scan3A_16 = arith.constant 1024 : i32
    %scan3A_17 = arith.addi %scan3A_15, %scan3A_16 : i32
    %scan3A_18 = arith.constant 1 : i32
    scf.for %scan3A_22 = %scan3A_15 to %scan3A_17 step %scan3A_18  : i32 {
      %broadcast_in_dim3A = vector.broadcast %scan3A_22 : i32 to vector<16xi32>
      %gather3A = tpu.vector_load_idx %arg5[%add3A_5, %broadcast_in_dim3A] : memref<64x1024xf32, #tpu.memory_space<vmem>>[vector<16xi32>, vector<16xi32>], vector<16xf32>,
      %masked_sort3A = arith.constant dense<true> : vector<16xi1>
      %masked_sort3A_23, %masked_sort3A_24, %masked_sort3A_25 = tpu.sort %gather3A, %add3A_5 masked %masked_sort3A {descending = true} : (vector<16xf32>, vector<16xi32>, vector<16xi1>) -> (vector<16xi1>, vector<16xf32>, vector<16xi32>)
      %gather3A_26 = tpu.vector_load_idx %arg5[%add3A_8, %broadcast_in_dim3A] : memref<64x1024xf32, #tpu.memory_space<vmem>>[vector<16xi32>, vector<16xi32>], vector<16xf32>,
      %masked_sort3A_27 = arith.constant dense<true> : vector<16xi1>
      %masked_sort3A_28, %masked_sort3A_29, %masked_sort3A_30 = tpu.sort %gather3A_26, %add3A_8 masked %masked_sort3A_27 {descending = true} : (vector<16xf32>, vector<16xi32>, vector<16xi1>) -> (vector<16xi1>, vector<16xf32>, vector<16xi32>)
      %gather3A_31 = tpu.vector_load_idx %arg5[%add3A_11, %broadcast_in_dim3A] : memref<64x1024xf32, #tpu.memory_space<vmem>>[vector<16xi32>, vector<16xi32>], vector<16xf32>,
      %masked_sort3A_32 = arith.constant dense<true> : vector<16xi1>
      %masked_sort3A_33, %masked_sort3A_34, %masked_sort3A_35 = tpu.sort %gather3A_31, %add3A_11 masked %masked_sort3A_32 {descending = true} : (vector<16xf32>, vector<16xi32>, vector<16xi1>) -> (vector<16xi1>, vector<16xf32>, vector<16xi32>)
      %gather3A_36 = tpu.vector_load_idx %arg5[%add3A_14, %broadcast_in_dim3A] : memref<64x1024xf32, #tpu.memory_space<vmem>>[vector<16xi32>, vector<16xi32>], vector<16xf32>,
      %masked_sort3A_37 = arith.constant dense<true> : vector<16xi1>
      %masked_sort3A_38, %masked_sort3A_39, %masked_sort3A_40 = tpu.sort %gather3A_36, %add3A_14 masked %masked_sort3A_37 {descending = true} : (vector<16xf32>, vector<16xi32>, vector<16xi1>) -> (vector<16xi1>, vector<16xf32>, vector<16xi32>)
      %rev3A = arith.constant 15 : i32
      %rev3A_41 = vector.broadcast %rev3A : i32 to vector<16xi32>
      %rev3A_42 = tpu.iota {dimensions = array<i32: 0>} : vector<16xi32>
      %rev3A_43 = arith.subi %rev3A_41, %rev3A_42 : vector<16xi32>
      %rev3A_44 = tpu.dynamic_gather %masked_sort3A_29[%rev3A_43] in [0] : vector<16xf32>, vector<16xi32> -> vector<16xf32>
      %rev3A_45 = arith.constant 15 : i32
      %rev3A_46 = vector.broadcast %rev3A_45 : i32 to vector<16xi32>
      %rev3A_47 = tpu.iota {dimensions = array<i32: 0>} : vector<16xi32>
      %rev3A_48 = arith.subi %rev3A_46, %rev3A_47 : vector<16xi32>
      %rev3A_49 = tpu.dynamic_gather %masked_sort3A_30[%rev3A_48] in [0] : vector<16xi32>, vector<16xi32> -> vector<16xi32>
      %gt3A = arith.cmpf ogt, %masked_sort3A_24, %rev3A_44 : vector<16xf32>
      %select_n3A = arith.select %gt3A, %masked_sort3A_24, %rev3A_44 : vector<16xi1>, vector<16xf32>
      %select_n3A_50 = arith.select %gt3A, %masked_sort3A_25, %rev3A_49 : vector<16xi1>, vector<16xi32>
      %rev3A_51 = arith.constant 15 : i32
      %rev3A_52 = vector.broadcast %rev3A_51 : i32 to vector<16xi32>
      %rev3A_53 = tpu.iota {dimensions = array<i32: 0>} : vector<16xi32>
      %rev3A_54 = arith.subi %rev3A_52, %rev3A_53 : vector<16xi32>
      %rev3A_55 = tpu.dynamic_gather %masked_sort3A_39[%rev3A_54] in [0] : vector<16xf32>, vector<16xi32> -> vector<16xf32>
      %rev3A_56 = arith.constant 15 : i32
      %rev3A_57 = vector.broadcast %rev3A_56 : i32 to vector<16xi32>
      %rev3A_58 = tpu.iota {dimensions = array<i32: 0>} : vector<16xi32>
      %rev3A_59 = arith.subi %rev3A_57, %rev3A_58 : vector<16xi32>
      %rev3A_60 = tpu.dynamic_gather %masked_sort3A_40[%rev3A_59] in [0] : vector<16xi32>, vector<16xi32> -> vector<16xi32>
      %gt3A_61 = arith.cmpf ogt, %masked_sort3A_34, %rev3A_55 : vector<16xf32>
      %select_n3A_62 = arith.select %gt3A_61, %masked_sort3A_34, %rev3A_55 : vector<16xi1>, vector<16xf32>
      %select_n3A_63 = arith.select %gt3A_61, %masked_sort3A_35, %rev3A_60 : vector<16xi1>, vector<16xi32>
      %masked_sort3A_64 = arith.constant dense<true> : vector<16xi1>
      %masked_sort3A_65, %masked_sort3A_66, %masked_sort3A_67 = tpu.sort %select_n3A, %select_n3A_50 masked %masked_sort3A_64 {descending = true} : (vector<16xf32>, vector<16xi32>, vector<16xi1>) -> (vector<16xi1>, vector<16xf32>, vector<16xi32>)
      %masked_sort3A_68 = arith.constant dense<true> : vector<16xi1>
      %masked_sort3A_69, %masked_sort3A_70, %masked_sort3A_71 = tpu.sort %select_n3A_62, %select_n3A_63 masked %masked_sort3A_68 {descending = true} : (vector<16xf32>, vector<16xi32>, vector<16xi1>) -> (vector<16xi1>, vector<16xf32>, vector<16xi32>)
      %rev3A_72 = arith.constant 15 : i32
      %rev3A_73 = vector.broadcast %rev3A_72 : i32 to vector<16xi32>
      %rev3A_74 = tpu.iota {dimensions = array<i32: 0>} : vector<16xi32>
      %rev3A_75 = arith.subi %rev3A_73, %rev3A_74 : vector<16xi32>
      %rev3A_76 = tpu.dynamic_gather %masked_sort3A_70[%rev3A_75] in [0] : vector<16xf32>, vector<16xi32> -> vector<16xf32>
      %rev3A_77 = arith.constant 15 : i32
      %rev3A_78 = vector.broadcast %rev3A_77 : i32 to vector<16xi32>
      %rev3A_79 = tpu.iota {dimensions = array<i32: 0>} : vector<16xi32>
      %rev3A_80 = arith.subi %rev3A_78, %rev3A_79 : vector<16xi32>
      %rev3A_81 = tpu.dynamic_gather %masked_sort3A_71[%rev3A_80] in [0] : vector<16xi32>, vector<16xi32> -> vector<16xi32>
      %gt3A_82 = arith.cmpf ogt, %masked_sort3A_66, %rev3A_76 : vector<16xf32>
      %select_n3A_83 = arith.select %gt3A_82, %masked_sort3A_66, %rev3A_76 : vector<16xi1>, vector<16xf32>
      %select_n3A_84 = arith.select %gt3A_82, %masked_sort3A_67, %rev3A_81 : vector<16xi1>, vector<16xi32>
      %masked_sort3A_85 = arith.constant dense<true> : vector<16xi1>
      %masked_sort3A_86, %masked_sort3A_87, %masked_sort3A_88 = tpu.sort %select_n3A_83, %select_n3A_84 masked %masked_sort3A_85 {descending = true} : (vector<16xf32>, vector<16xi32>, vector<16xi1>) -> (vector<16xi1>, vector<16xf32>, vector<16xi32>)
      %reduce_max3A = arith.constant true
      %reduce_max3A_89 = vector.broadcast %reduce_max3A : i1 to vector<16xi1>
      %reduce_max3A_90 = tpu.scan <max>, %masked_sort3A_87 masked %reduce_max3A_89 : vector<16xf32>, vector<16xi1> -> vector<16xf32>
      %reduce_max3A_91 = vector.extract %reduce_max3A_90[15] : f32 from vector<16xf32>
      %sub3A = vector.broadcast %reduce_max3A_91 : f32 to vector<16xf32>
      %sub3A_92 = arith.subf %masked_sort3A_87, %sub3A : vector<16xf32>
      %exp3A = math.exp %sub3A_92 : vector<16xf32>
      %jit3A = arith.constant 0.000000e+00 : f32
      %broadcast_in_dim3A_93 = vector.broadcast %jit3A : f32 to vector<16xf32>
      %select_n3A_94 = arith.select %lt3A_2, %exp3A, %broadcast_in_dim3A_93 : vector<16xi1>, vector<16xf32>
      %reduce_sum3A = arith.constant true
      %reduce_sum3A_95 = vector.broadcast %reduce_sum3A : i1 to vector<16xi1>
      %reduce_sum3A_96 = tpu.scan <sum>, %select_n3A_94 masked %reduce_sum3A_95 : vector<16xf32>, vector<16xi1> -> vector<16xf32>
      %reduce_sum3A_97 = vector.extract %reduce_sum3A_96[15] : f32 from vector<16xf32>
      %div3A = vector.broadcast %reduce_sum3A_97 : f32 to vector<16xf32>
      %div3A_98 = arith.divf %select_n3A_94, %div3A : vector<16xf32>
      tpu.vector_store_idx %arg6[%broadcast_in_dim3A, %iota3A], %div3A_98 masked %lt3A_2 : memref<1024x8xf32, #tpu.memory_space<vmem>>[vector<16xi32>, vector<16xi32>], vector<16xf32>, vector<16xi1>
      tpu.vector_store_idx %arg7[%broadcast_in_dim3A, %iota3A], %masked_sort3A_88 masked %lt3A_2 : memref<1024x8xi32, #tpu.memory_space<vmem>>[vector<16xi32>, vector<16xi32>], vector<16xi32>, vector<16xi1>
    }
    %scan3A_19 = arith.constant 1024 : i32
    %mul3A_20 = arith.constant 1024 : i32
    %mul3A_21 = arith.muli %add3A, %mul3A_20 : i32
    "tpu.region"() ({
      %run_scoped3A = tpu.sem_alloc : memref<!tpu.dma_semaphore, #tpu.memory_space<semaphore_mem>>
      %dma_start3A = arith.constant 0 : i32
      %dma_start3A_22 = tpu.memref_slice %arg3[%mul3A_21, %dma_start3A] : memref<32768x8xf32, #tpu.memory_space<hbm>> -> memref<1024x8xf32, #tpu.memory_space<hbm>>
      %dma_start3A_23 = arith.constant 0 : i32
      %dma_start3A_24 = tpu.memref_slice %arg3[%mul3A_21, %dma_start3A_23] : memref<32768x8xf32, #tpu.memory_space<hbm>> -> memref<1024x8xf32, #tpu.memory_space<hbm>>
      tpu.enqueue_dma source(%arg6 : memref<1024x8xf32, #tpu.memory_space<vmem>>) target(%dma_start3A_24 : memref<1024x8xf32, #tpu.memory_space<hbm>>) target_semaphore(%run_scoped3A : memref<!tpu.dma_semaphore, #tpu.memory_space<semaphore_mem>>)
      %dma_wait3A = arith.constant 0 : i32
      %dma_wait3A_25 = tpu.memref_slice %arg3[%mul3A_21, %dma_wait3A] : memref<32768x8xf32, #tpu.memory_space<hbm>> -> memref<1024x8xf32, #tpu.memory_space<hbm>>
      %dma_wait3A_26 = arith.constant 0 : i32
      %dma_wait3A_27 = tpu.memref_slice %arg3[%mul3A_21, %dma_wait3A_26] : memref<32768x8xf32, #tpu.memory_space<hbm>> -> memref<1024x8xf32, #tpu.memory_space<hbm>>
      tpu.wait_dma2 semaphore(%run_scoped3A : memref<!tpu.dma_semaphore, #tpu.memory_space<semaphore_mem>>) src(%arg6 : memref<1024x8xf32, #tpu.memory_space<vmem>>) dst(%dma_wait3A_27 : memref<1024x8xf32, #tpu.memory_space<hbm>>)
      tpu.yield
    }) : () -> ()
    "tpu.region"() ({
      %run_scoped3A = tpu.sem_alloc : memref<!tpu.dma_semaphore, #tpu.memory_space<semaphore_mem>>
      %dma_start3A = arith.constant 0 : i32
      %dma_start3A_22 = tpu.memref_slice %arg4[%mul3A_21, %dma_start3A] : memref<32768x8xi32, #tpu.memory_space<hbm>> -> memref<1024x8xi32, #tpu.memory_space<hbm>>
      %dma_start3A_23 = arith.constant 0 : i32
      %dma_start3A_24 = tpu.memref_slice %arg4[%mul3A_21, %dma_start3A_23] : memref<32768x8xi32, #tpu.memory_space<hbm>> -> memref<1024x8xi32, #tpu.memory_space<hbm>>
      tpu.enqueue_dma source(%arg7 : memref<1024x8xi32, #tpu.memory_space<vmem>>) target(%dma_start3A_24 : memref<1024x8xi32, #tpu.memory_space<hbm>>) target_semaphore(%run_scoped3A : memref<!tpu.dma_semaphore, #tpu.memory_space<semaphore_mem>>)
      %dma_wait3A = arith.constant 0 : i32
      %dma_wait3A_25 = tpu.memref_slice %arg4[%mul3A_21, %dma_wait3A] : memref<32768x8xi32, #tpu.memory_space<hbm>> -> memref<1024x8xi32, #tpu.memory_space<hbm>>
      %dma_wait3A_26 = arith.constant 0 : i32
      %dma_wait3A_27 = tpu.memref_slice %arg4[%mul3A_21, %dma_wait3A_26] : memref<32768x8xi32, #tpu.memory_space<hbm>> -> memref<1024x8xi32, #tpu.memory_space<hbm>>
      tpu.wait_dma2 semaphore(%run_scoped3A : memref<!tpu.dma_semaphore, #tpu.memory_space<semaphore_mem>>) src(%arg7 : memref<1024x8xi32, #tpu.memory_space<vmem>>) dst(%dma_wait3A_27 : memref<1024x8xi32, #tpu.memory_space<hbm>>)
      tpu.yield
    }) : () -> ()
    return
  }
}

module attributes {stable_mosaic.version = 14 : i64} {
  func.func @_logits_body(%arg0: i32, %arg1: memref<4096x768xf32, #tpu.memory_space<vmem>>, %arg2: memref<1x768xf32, #tpu.memory_space<vmem>>, %arg3: memref<768x64xf32, #tpu.memory_space<vmem>>, %arg4: memref<64x1xf32, #tpu.memory_space<vmem>>, %arg5: memref<4x64x1024xf32, #tpu.memory_space<vmem>>) attributes {dimension_semantics = [#tpu.dimension_semantics<arbitrary>], iteration_bounds = array<i64: 8>, scalar_prefetch = 0 : i64, scratch_operands = 0 : i64, tpu.core_type = #tpu.core_type<tc>, window_params = [{transform_indices = @transform_0, window_bounds = array<i64: 4096, 768>}, {pipeline_mode = #tpu.pipeline_mode<synchronous>, transform_indices = @transform_1, window_bounds = array<i64: 1, 768>}, {pipeline_mode = #tpu.pipeline_mode<synchronous>, transform_indices = @transform_2, window_bounds = array<i64: 768, 64>}, {pipeline_mode = #tpu.pipeline_mode<synchronous>, transform_indices = @transform_3, window_bounds = array<i64: 64, 1>}, {transform_indices = @transform_4, window_bounds = array<i64: 4, 64, 1024>}]} {
    %get3A = arith.constant 0 : index
    %get3A_0 = arith.constant 0 : index
    %get3A_1 = vector.load %arg1[%get3A, %get3A_0] : memref<4096x768xf32, #tpu.memory_space<vmem>>, vector<4096x768xf32>
    %get3A_2 = arith.constant 0 : index
    %get3A_3 = arith.constant 0 : index
    %get3A_4 = vector.load %arg2[%get3A_2, %get3A_3] : memref<1x768xf32, #tpu.memory_space<vmem>>, vector<1x768xf32>
    %add3A = vector.broadcast %get3A_4 : vector<1x768xf32> to vector<4096x768xf32>
    %add3A_5 = arith.addf %get3A_1, %add3A : vector<4096x768xf32>
    %get3A_6 = arith.constant 0 : index
    %get3A_7 = arith.constant 0 : index
    %get3A_8 = vector.load %arg3[%get3A_6, %get3A_7] : memref<768x64xf32, #tpu.memory_space<vmem>>, vector<768x64xf32>
    %dot_general3A = arith.constant dense<0.000000e+00> : vector<64x4096xf32>
    %dot_general3A_9 = tpu.matmul %get3A_8, %add3A_5, %dot_general3A {dimension_numbers = #tpu.dot_dimension_numbers<[0], [1], [1], [0], [0, 1, 1, 0], [], []>, transpose_lhs_hint = false} : vector<768x64xf32>, vector<4096x768xf32>, vector<64x4096xf32> -> vector<64x4096xf32>
    %get3A_10 = arith.constant 0 : index
    %get3A_11 = arith.constant 0 : index
    %get3A_12 = vector.load %arg4[%get3A_10, %get3A_11] : memref<64x1xf32, #tpu.memory_space<vmem>>, vector<64x1xf32>
    %add3A_13 = vector.broadcast %get3A_12 : vector<64x1xf32> to vector<64x4096xf32>
    %add3A_14 = arith.addf %dot_general3A_9, %add3A_13 : vector<64x4096xf32>
    %slice3A = vector.extract_strided_slice %add3A_14 {offsets = [0, 0], sizes = [64, 1024], strides = [1, 1]} : vector<64x4096xf32> to vector<64x1024xf32>
    %swap3A = arith.constant 0 : index
    %swap3A_15 = arith.constant 0 : index
    %swap3A_16 = arith.constant 0 : index
    %swap3A_17 = vector.load %arg5[%swap3A, %swap3A_15, %swap3A_16] : memref<4x64x1024xf32, #tpu.memory_space<vmem>>, vector<1x64x1024xf32>
    %swap3A_18 = vector.shape_cast %swap3A_17 : vector<1x64x1024xf32> to vector<64x1024xf32>
    %swap3A_19 = vector.shape_cast %slice3A : vector<64x1024xf32> to vector<1x64x1024xf32>
    tpu.vector_store %arg5[%swap3A, %swap3A_15, %swap3A_16], %swap3A_19 {strides = array<i32>} : memref<4x64x1024xf32, #tpu.memory_space<vmem>>, vector<1x64x1024xf32>,
    %slice3A_20 = vector.extract_strided_slice %add3A_14 {offsets = [0, 1024], sizes = [64, 1024], strides = [1, 1]} : vector<64x4096xf32> to vector<64x1024xf32>
    %swap3A_21 = arith.constant 1 : index
    %swap3A_22 = arith.constant 0 : index
    %swap3A_23 = arith.constant 0 : index
    %swap3A_24 = vector.load %arg5[%swap3A_21, %swap3A_22, %swap3A_23] : memref<4x64x1024xf32, #tpu.memory_space<vmem>>, vector<1x64x1024xf32>
    %swap3A_25 = vector.shape_cast %swap3A_24 : vector<1x64x1024xf32> to vector<64x1024xf32>
    %swap3A_26 = vector.shape_cast %slice3A_20 : vector<64x1024xf32> to vector<1x64x1024xf32>
    tpu.vector_store %arg5[%swap3A_21, %swap3A_22, %swap3A_23], %swap3A_26 {strides = array<i32>} : memref<4x64x1024xf32, #tpu.memory_space<vmem>>, vector<1x64x1024xf32>,
    %slice3A_27 = vector.extract_strided_slice %add3A_14 {offsets = [0, 2048], sizes = [64, 1024], strides = [1, 1]} : vector<64x4096xf32> to vector<64x1024xf32>
    %swap3A_28 = arith.constant 2 : index
    %swap3A_29 = arith.constant 0 : index
    %swap3A_30 = arith.constant 0 : index
    %swap3A_31 = vector.load %arg5[%swap3A_28, %swap3A_29, %swap3A_30] : memref<4x64x1024xf32, #tpu.memory_space<vmem>>, vector<1x64x1024xf32>
    %swap3A_32 = vector.shape_cast %swap3A_31 : vector<1x64x1024xf32> to vector<64x1024xf32>
    %swap3A_33 = vector.shape_cast %slice3A_27 : vector<64x1024xf32> to vector<1x64x1024xf32>
    tpu.vector_store %arg5[%swap3A_28, %swap3A_29, %swap3A_30], %swap3A_33 {strides = array<i32>} : memref<4x64x1024xf32, #tpu.memory_space<vmem>>, vector<1x64x1024xf32>,
    %slice3A_34 = vector.extract_strided_slice %add3A_14 {offsets = [0, 3072], sizes = [64, 1024], strides = [1, 1]} : vector<64x4096xf32> to vector<64x1024xf32>
    %swap3A_35 = arith.constant 3 : index
    %swap3A_36 = arith.constant 0 : index
    %swap3A_37 = arith.constant 0 : index
    %swap3A_38 = vector.load %arg5[%swap3A_35, %swap3A_36, %swap3A_37] : memref<4x64x1024xf32, #tpu.memory_space<vmem>>, vector<1x64x1024xf32>
    %swap3A_39 = vector.shape_cast %swap3A_38 : vector<1x64x1024xf32> to vector<64x1024xf32>
    %swap3A_40 = vector.shape_cast %slice3A_34 : vector<64x1024xf32> to vector<1x64x1024xf32>
    tpu.vector_store %arg5[%swap3A_35, %swap3A_36, %swap3A_37], %swap3A_40 {strides = array<i32>} : memref<4x64x1024xf32, #tpu.memory_space<vmem>>, vector<1x64x1024xf32>,
    return
  }
  func.func @transform_0(%arg0: i32) -> (i32, i32) {
    %c0_i32 = arith.constant 0 : i32
    %c0_i32_0 = arith.constant 0 : i32
    return %arg0, %c0_i32 : i32, i32
  }
  func.func @transform_1(%arg0: i32) -> (i32, i32) {
    %c0_i32 = arith.constant 0 : i32
    %c0_i32_0 = arith.constant 0 : i32
    %c0_i32_1 = arith.constant 0 : i32
    return %c0_i32, %c0_i32_0 : i32, i32
  }
  func.func @transform_2(%arg0: i32) -> (i32, i32) {
    %c0_i32 = arith.constant 0 : i32
    %c0_i32_0 = arith.constant 0 : i32
    %c0_i32_1 = arith.constant 0 : i32
    return %c0_i32, %c0_i32_0 : i32, i32
  }
  func.func @transform_3(%arg0: i32) -> (i32, i32) {
    %c0_i32 = arith.constant 0 : i32
    %c0_i32_0 = arith.constant 0 : i32
    %c0_i32_1 = arith.constant 0 : i32
    return %c0_i32, %c0_i32_0 : i32, i32
  }
  func.func @transform_4(%arg0: i32) -> (i32, i32, i32) {
    %c0_i32 = arith.constant 0 : i32
    %c0_i32_0 = arith.constant 0 : i32
    %c0_i32_1 = arith.constant 0 : i32
    return %arg0, %c0_i32, %c0_i32_0 : i32, i32, i32
  }
}

</mosaic_0001>

<sc_bundles>
// kernel: kernel.4.cloned.1.call-start
scs
__scs_entry_jumppad:
0x0: {  	(pc) =	sbr.rel $0x88, $3  }
0x1: {  	(tag) =	ssettag $0x0;
	lr =	simm.s32 $0x1  }
0x2: {  	[smem:$0x3F9C] =	sst lr;
	_ =	strace $0xD0000000  }
0x3: {  	_ = 	snop  }
0x4: {  	_ = 	snop  }
0x5: {  	_ = 	snop  }
0x6: {  	_ = 	snop  }
0x7: {  	_ = 	snop  }
__scs_overlays_trampoline_lowered:
0x8: {  	[smem:$0x3FAB] =	sst s0  }
0x9: {  	[smem:$0x3FAC] =	sst s1  }
0xa: {  	[smem:$0x3FAD] =	sst s2  }
0xb: {  	[smem:$0x3FAE] =	sst s3  }
0xc: {  	[smem:$0x3FAF] =	sst s4  }
0xd: {  	[smem:$0x3FB0] =	sst s5  }
0xe: {  	[smem:$0x3FB1] =	sst s6  }
0xf: {  	[smem:$0x3FB2] =	sst s7  }
0x10: {  	[smem:$0x3FB3] =	sst s8  }
0x11: {  	[smem:$0x3FB4] =	sst s9;
	s0 =	simm.s32 @!p0 $0x0  }
0x12: {  	s1 =	sld [smem:$0x3F9A];
	s0 =	simm.s32 @p0 $0x1  }
0x13: {  	[smem:$0x3FB5] =	sst s0;
	s0 =	simm.s32 @!p1 $0x0  }
0x14: {  	s2 =	sld [smem:$0x3F99];
	s0 =	simm.s32 @p1 $0x1  }
0x15: {  	[smem:$0x3FB6] =	sst s0;
	s0 =	simm.s32 @!p2 $0x0  }
0x16: {  	s3 =	sld [smem:$0x3FDB];
	s0 =	simm.s32 @p2 $0x1  }
0x17: {  	s4 =	simm.s32 $0x1BF5;
	[smem:$0x3FB8] =	sst s0  }
0x18: {  	s0 =	sld [smem:$0x3F9B];
	_ =	swait.ge [sflag:s4], $0x0  }
0x19: {  	s7 =	sld [smem:$0x3F9C]  }
0x1a: {  	s8 =	sadd.s32 $0xFFFFE003, lr  }
0x1b: {  	s9 =	sadd.s32 $0xFFFFFEF7, lr;
	s5 =	simm.s32 $0xFFFFFFFF;
	p2 =	slt.u32 s8, $0xFFFFF086  }
0x1c: {  	p1 =	slt.u32 s9, $0xF7A;
	s5 =	simm.s32 @!p2 $0x0  }
0x1d: {  	s5 =	simm.s32 @p1 $0x1;
	p0 =	seq.s32 s7, s2  }
0x1e: {  	s7 =	smul.u32 @!p0 $0xF7A, s2;
	p2 =	seq.s32 @!p0 s5, $0x0  }
0x1f: {  	s9 =	smul.u32 $0xF7A, s1;
	s8 =	simm.s32 @!p0 $0x1BF5;
	p2 =	por !p2, p0  }
0x20: {  	[sflag:s8] =	ssyncset.s32 @!p0 $0xFFFFF086;
	s6 =	sadd.s32 @!p0 s3, s7;
	s7 =	simm.s32 @!p0 $0x108  }
0x21: {  	s3 =	sadd.s32 s3, s9;
	s6 =	sadd.s32 @!p0 $0x88, s6;
	s7 =	simm.s32 @p2 $0x1082  }
0x22: {  	[simem:s7], [sflag:s8] =	dma.local @!p0 [hbm:s6], $0xF7A  }
0x23: {  	s9 =	sor.u32 $0xD0000000, s2;
	s6 =	simm.s32 $0x108;
	_ =	swait.ge @!p0 [sflag:s8], $0x0  }
0x24: {  	s3 =	sadd.s32 $0x88, s3;
	s6 =	simm.s32 @!p1 $0x1082;
	[sflag:s4] =	ssyncset.s32 $0xFFFFF086  }
0x25: {  	[simem:s6], [sflag:s4] =	dma.local [hbm:s3], $0xF7A  }
0x26: {  	[smem:$0x3F9C] =	sst s1;
	(tag) =	ssettag s2;
	_ =	strace s9  }
0x27: {  	s1 =	sld [smem:$0x3FAC]  }
0x28: {  	s2 =	sld [smem:$0x3FAD]  }
0x29: {  	s4 =	sld [smem:$0x3FAF]  }
0x2a: {  	p0 =	seq.s32 s5, $0x0;
	s5 =	sld [smem:$0x3FB0]  }
0x2b: {  	s6 =	sld [smem:$0x3FB1]  }
0x2c: {  	s7 =	sld [smem:$0x3FB2]  }
0x2d: {  	s3 =	simm.s32 $0x108;
	s8 =	sld [smem:$0x3FB3]  }
0x2e: {  	s3 =	simm.s32 @!p0 $0x1082;
	s9 =	sld [smem:$0x3FB4]  }
0x2f: {  	lr =	sadd.s32 s0, s3;
	s0 =	sld [smem:$0x3FAB]  }
0x30: {  	s3 =	sld [smem:$0x3FAE]  }
0x31: {  	[smem:$0x3FB7] =	sst s10  }
0x32: {  	s10 =	sld [smem:$0x3FB5];
	_ =	sdelay $0x3  }
0x33: {  	p0 =	seq.s32 s10, $0x1;
	s10 =	sld [smem:$0x3FB7];
	_ =	sdelay $0x3  }
0x34: {  	[smem:$0x3FB7] =	sst s10  }
0x35: {  	s10 =	sld [smem:$0x3FB6];
	_ =	sdelay $0x3  }
0x36: {  	p1 =	seq.s32 s10, $0x1;
	s10 =	sld [smem:$0x3FB7];
	_ =	sdelay $0x3  }
0x37: {  	[smem:$0x3FB7] =	sst s10  }
0x38: {  	s10 =	sld [smem:$0x3FB8]  }
0x39: {  	_ = 	snop;
	(pc) =	sbr.ind lr, $3  }
0x3a: {  	_ = 	snop  }
0x3b: {  	_ = 	snop  }
0x3c: {  	p2 =	seq.s32 s10, $0x1;
	s10 =	sld [smem:$0x3FB7]  }
0x3d: {  	_ =	shalt  }
0x3e: {  	_ =	shalt  }
0x3f: {  	_ =	shalt  }
0x40: {  	_ =	shalt  }
0x41: {  	_ =	shalt  }
0x42: {  	_ =	shalt  }
0x43: {  	_ =	shalt  }
0x44: {  	_ =	shalt  }
0x45: {  	_ =	shalt  }
0x46: {  	_ =	shalt  }
0x47: {  	_ =	shalt  }
0x48: {  	_ =	shalt  }
0x49: {  	_ =	shalt  }
0x4a: {  	_ =	shalt  }
0x4b: {  	_ =	shalt  }
0x4c: {  	_ =	shalt  }
0x4d: {  	_ =	shalt  }
0x4e: {  	_ =	shalt  }
0x4f: {  	_ =	shalt  }
0x50: {  	_ =	shalt  }
0x51: {  	_ =	shalt  }
0x52: {  	_ =	shalt  }
0x53: {  	_ =	shalt  }
0x54: {  	_ =	shalt  }
0x55: {  	_ =	shalt  }
0x56: {  	_ =	shalt  }
0x57: {  	_ =	shalt  }
0x58: {  	_ =	shalt  }
0x59: {  	_ =	shalt  }
0x5a: {  	_ =	shalt  }
0x5b: {  	_ =	shalt  }
0x5c: {  	_ =	shalt  }
0x5d: {  	_ =	shalt  }
0x5e: {  	_ =	shalt  }
0x5f: {  	_ =	shalt  }
0x60: {  	_ =	shalt  }
0x61: {  	_ =	shalt  }
0x62: {  	_ =	shalt  }
0x63: {  	_ =	shalt  }
0x64: {  	_ =	shalt  }
0x65: {  	_ =	shalt  }
0x66: {  	_ =	shalt  }
0x67: {  	_ =	shalt  }
0x68: {  	_ =	shalt  }
0x69: {  	_ =	shalt  }
0x6a: {  	_ =	shalt  }
0x6b: {  	_ =	shalt  }
0x6c: {  	_ =	shalt  }
0x6d: {  	_ =	shalt  }
0x6e: {  	_ =	shalt  }
0x6f: {  	_ =	shalt  }
0x70: {  	_ =	shalt  }
0x71: {  	_ =	shalt  }
0x72: {  	_ =	shalt  }
0x73: {  	_ =	shalt  }
0x74: {  	_ =	shalt  }
0x75: {  	_ =	shalt  }
0x76: {  	_ =	shalt  }
0x77: {  	_ =	shalt  }
0x78: {  	_ =	shalt  }
0x79: {  	_ =	shalt  }
0x7a: {  	_ =	shalt  }
0x7b: {  	_ =	shalt  }
0x7c: {  	_ =	shalt  }
0x7d: {  	_ =	shalt  }
0x7e: {  	_ =	shalt  }
0x7f: {  	_ =	shalt  }
0x80: {  	_ =	shalt  }
0x81: {  	_ =	shalt  }
0x82: {  	_ =	shalt  }
0x83: {  	_ =	shalt  }
0x84: {  	_ =	shalt  }
0x85: {  	_ =	shalt  }
0x86: {  	_ =	shalt  }
0x87: {  	_ =	shalt  }
.Lfunc_end0:
.L_simem_size_0:
called_computation_lowered:
.L_overlay_start_0:
0x88: {  	s2 =	sld [smem:$0x3FD9]  }
0x89: {  	s3 =	sld [smem:$0x3FFE];
	_ =	sdelay $0x1  }
0x8a: {  	s1 =	srdreg.scid  }
0x8b: {  	s0 =	sand.u32 $0x1, s1  }
0x8c: {  	s14 =	sshll.u32 s0, $0xA;
	s2 =	sadd.s32 s3, s2  }
0x8d: {  	s2 =	sadd.s32 s2, s14  }
0x8e: {  	[smem:$0x3FC3] =	sst s2  }
0x8f: {  	_ = 	snop  }
0x90: {  	s2 =	sld [smem:$0x3FD0];
	_ =	sdelay $0x2  }
0x91: {  	s15 =	simm.s32 $0xA;
	s4 =	simm.s32 $0x10  }
0x92: {  	[smem:s4], [sflag:s15] =	dma.local [hbm:s2], $0x1  }
0x93: {  	_ =	swait.eq [sflag:s15], $0x1  }
0x94: {  	[sflag:s15] =	ssyncset.done $0x0  }
0x95: {  	s16 =	sld [smem:$0x10];
	[sflag:s15] =	ssyncadd.s32 $0xFFFFFFFF  }
0x96: {  	s17 =	sld [smem:$0x11];
	(tm) =	ssettm $0x1  }
0x97: {  	s18 =	sld [smem:$0x3FFB];
	_ =	sdelay $0x3  }
0x98: {  	_ =	strace s18  }
0x99: {  	s4 =	sld [smem:$0x3FFC];
	_ =	sdelay $0x3  }
0x9a: {  	_ =	strace s4  }
0x9b: {  	s4 =	sld [smem:$0x3FFD];
	_ =	sdelay $0x3  }
0x9c: {  	_ =	strace s4  }
0x9d: {  	_ =	strace $0x8FFFFFFF  }
0x9e: {  	s19 =	sld [smem:$0x3FDB];
	_ =	sdelay $0x1  }
0x9f: {  	s5 =	simm.s32 $_scs_section_size  }
0xa0: {  	s6 =	simm.s32 $_size__tile_overlayer_lowered;
	s7 =	simm.s32 $_tile_overlayer_lowered  }
0xa1: {  	s22 =	simm.s32 $0x1BFF;
	s21 =	sshll.u32 s7, $0x1;
	s4 =	sadd.s32 s5, s19  }
0xa2: {  	s8 =	simm.s32 $0x0;
	s20 =	sshll.u32 s6, $0x1;
	s6 =	sadd.s32 s21, s4  }
0xa3: {  	[timem:s8], [sflag:s22] =	dma.local [hbm:s6], s20  }
0xa4: {  	_ =	swait.ge [sflag:s22], s20  }
0xa5: {  	s5 =	ssub.s32 $0x0, s20;
	[sflag:s22] =	ssyncset.done $0x0  }
0xa6: {  	[sflag:s22] =	ssyncadd.s32 s5;
	_ =	sdelay $0x1  }
0xa7: {  	s23 =	simm.s32 $0x1B8B  }
0xa8: {  	_ =	swait.ge [sflag:s23], $0x1  }
0xa9: {  	[sflag:s23] =	ssyncset.done $0x0  }
0xaa: {  	s25 =	simm.s32 $0x1B8E;
	s24 =	sld [smem:$0x3FFE];
	[sflag:s23] =	ssyncadd.s32 $0xFFFFFFFF  }
0xab: {  	s26 =	simm.s32 $execute0_lowered;
	[smem:$0x3FD2] =	sst s25  }
0xac: {  	s6 =	sshll.u32 s26, $0x1;
	_ =	strace $0x80000046;
	[dreg:$0x1] =	wrdreg $0xFFFFFFFF  }
0xad: {  	s28 =	simm.s32 $_size_execute0_lowered;
	s4 =	sadd.s32 s4, s6;
	[dreg:$0x0] =	wrdreg $0x0  }
0xae: {  	s6 =	sshll.u32 s28, $0x1;
	[dreg:$0x2] =	wrdreg s4  }
0xaf: {  	[dreg:$0x3] =	wrdreg s6  }
0xb0: {  	[dreg:$0x4] =	wrdreg $0xC0  }
0xb1: {  	_ =	task [dreg:s8], $0x5FFFF  }
0xb2: {  	[dreg:$0x1] =	wrdreg $0xFFFFFFFF  }
0xb3: {  	[dreg:$0x0] =	wrdreg $0x60  }
0xb4: {  	[dreg:$0x2] =	wrdreg s24  }
0xb5: {  	[dreg:$0x3] =	wrdreg s16  }
0xb6: {  	[dreg:$0x4] =	wrdreg s17  }
0xb7: {  	[dreg:$0x5] =	wrdreg $0x9  }
0xb8: {  	_ =	task.clear_ibuf [dreg:s8], $0x6FFFF;
	_ =	strace $0x90000046  }
0xb9: {  	s29 =	simm.s32 $0x9;
	_ =	strace $0x80000048  }
0xba: {  	_ =	swait.ge [sflag:s29], $0x1  }
0xbb: {  	[sflag:s29] =	ssyncadd.s32 $0xFFFFFFFF  }
0xbc: {  	_ =	strace $0x90000048  }
0xbd: {  	_ =	sfence  }
0xbe: {  	s30 =	sld [smem:$0x0];
	_ =	sdelay $0x2  }
0xbf: {  	s31 =	sshll.u32 s1, $0xD;
	s1 =	sshrl.u32 s1, $0x2  }
0xc0: {  	s3 =	sand.u32 $0x4000, s31;
	s1 =	sadd.s32 s1, s30  }
0xc1: {  	s0 =	sor.u32 s3, s0;
	s1 =	sshll.u32 s1, $0x11  }
0xc2: {  	s0 =	sor.u32 s1, s0  }
0xc3: {  	s0 =	sadd.s32 $0x8F2B, s0  }
0xc4: {  	[sflag:s0] =	ssyncadd.remote.s32 $0x1  }
0xc5: {  	_ =	sfence.sel $0xFFFF  }
0xc6: {  	[dreg:$0x0] =	wrdreg $0xFFFFFFFF;
	(pc) =	sbr.abs _section_cstart, $3  }
0xc7: {  	[dreg:$0x1] =	wrdreg $0xFFFFFFFF  }
0xc8: {  	_ =	task.clear_ibuf [dreg:s8], $0x2FFFF;
	_ =	strace $0x9FFFFFFF  }
0xc9: {  	(tm) =	ssettm $0x7FFFFFFF  }
tec
execute0_lowered:
.L_overlay_start_1:
0x0: {  	(tag) =	ssettag $0x1  }
0x1: {  	s3 =	rddreg [dreg:$0x0]  }
0x2: {  	s4 =	rddreg [dreg:$0x1]  }
0x3: {  	s5 =	rddreg [dreg:$0x2]  }
0x4: {  	s0 =	rddreg [dreg:$0x3];
	s6 =	srdreg.scid  }
0x5: {  	s1 =	stileid.u32;
	s2 =	simm.s32 $0x0;
	s9 =	simm.s32 $0x12000  }
0x6: {  	s10 =	simm.s32 $0x0;
	s6 =	sand.u32 $0x1, s6;
	s7 =	sshll.u32 s1, $0x1  }
0x7: {  	v0 =	vlaneseq.u32;
	[smem:$0x7FF] =	sst s2;
	s7 =	sor.u32 s6, s7;
	s6 =	ssub.s32 $0x2, s6  }
0x8: {  	v1 =	vmul.u32 $0x400, v0;
	_ =	strace $0x80000047;
	s8 =	sshll.u32 s7, $0xD;
	s31 =	sshrl.u32 s6, $0x1  }
0x9: {  	vm0 =	vmmov $0xff;
	v3 =	vor.u32 $0x10, v0;
	v8 =	vmul.u32 $0xFFFFFFFF, v0;
	s7 =	sshll.u32 s7, $0xA;
	s3 =	sadd.s32 s8, s3;
	s6 =	ssub.s32 s6, s31  }
0xa: {  	v5 =	vor.u32 $0x20, v0;
	v7 =	vor.u32 $0x30, v0;
	v2 =	vor.u32 $0x4000, v1;
	s4 =	sadd.s32 s4, s7;
	s5 =	sadd.s32 s5, s7;
	s7 =	simm.s32 $0x1  }
0xb: {  	v4 =	vor.u32 $0x8000, v1;
	v6 =	vor.u32 $0xC000, v1;
	v8 =	vadd.s32 $0xF, v8;
	s8 =	simm.s32 $0x10000;
	s3 =	sadd.s32 $0xA00, s3;
	s6 =	smax.u32 s6, $0x1  }
.LBB2_1:
0xc: {  	v9 =	vmov s2  }
0xd: {  	v10 =	vand.u32 $0x3FF, v9  }
0xe: {  	v11 =	vor.u32 v6, v10  }
0xf: {  	[tilespmem:s2], [sflag:$0x1] =	stream.linear.gather [hbm4b:s3+s2], $0x10000, $0x38;
	v12 =	vor.u32 v4, v10;
	[tilespmem:$0x14000] =	vst v63  }
0x10: {  	_ =	swait.ge [sflag:s7], $0x10000;
	v13 =	vor.u32 v2, v10  }
0x11: {  	[sflag:s7] =	ssyncset.done $0x0  }
0x12: {  	v10 =	vor.u32 v1, v10;
	[sflag:s7] =	ssyncadd.s32 $0xFFFF0000  }
0x13: {  	v11 =	vld.idx.msk [tilespmem:v11+s2+$0x0], $0xffff  }
0x14: {  	v12 =	vld.idx.msk [tilespmem:v12+s2+$0x0], $0xffff  }
0x15: {  	v13 =	vld.idx.msk [tilespmem:v13+s2+$0x0], $0xffff;
	_ =	sdelay $0x1  }
0x16: {  	v10 =	vld.idx.msk [tilespmem:v10+s2+$0x0], $0xffff  }
0x17: {  	(xrf1) =	vsort.dscd.msk.f32 $0xffff, v11, v7  }
0x18: {  	(xrf1) =	vsort.dscd.msk.f32 $0xffff, v12, v5  }
0x19: {  	(xrf1) =	vsort.dscd.msk.f32 $0xffff, v13, v3;
	_ =	sdelay $0x1  }
0x1a: {  	(xrf1) =	vsort.dscd.msk.f32 $0xffff, v10, v0;
	_ =	sdelay $0x9  }
0x1b: {  	v10, v11, _ =	vpop (xrf1)  }
0x1c: {  	v10 =	vperm.xlane v10, v8;
	v12, v13, _ =	vpop (xrf1)  }
0x1d: {  	v11 =	vperm.xlane v11, v8;
	v14, v15, _ =	vpop (xrf1)  }
0x1e: {  	v14 =	vperm.xlane v14, v8;
	vm1 =	vgt.f32 v12, v10  }
0x1f: {  	v15 =	vperm.xlane v15, v8;
	v10 =	vsel vm1, v12, v10;
	v11 =	vsel vm1, v13, v11;
	v12, v13, _ =	vpop (xrf1)  }
0x20: {  	vm1 =	vgt.f32 v12, v14;
	(xrf1) =	vsort.dscd.msk.f32 $0xffff, v10, v11  }
0x21: {  	v10 =	vsel vm1, v12, v14;
	v11 =	vsel vm1, v13, v15  }
0x22: {  	(xrf1) =	vsort.dscd.msk.f32 $0xffff, v10, v11;
	_ =	sdelay $0xb  }
0x23: {  	v10, v11, _ =	vpop (xrf1)  }
0x24: {  	v10 =	vperm.xlane v10, v8  }
0x25: {  	v11 =	vperm.xlane v11, v8;
	v12, v13, _ =	vpop (xrf1)  }
0x26: {  	vm1 =	vgt.f32 v12, v10  }
0x27: {  	v10 =	vsel vm1, v12, v10;
	v11 =	vsel vm1, v13, v11  }
0x28: {  	(xrf1) =	vsort.dscd.msk.f32 $0xffff, v10, v11;
	_ =	sdelay $0xd  }
0x29: {  	v11, v10, _ =	vpop (xrf1)  }
0x2a: {  	(xrf0) =	vmax.scan.msk.f32 $0xffff, v11;
	_ =	sdelay $0x5  }
0x2b: {  	v12, _, _ =	vpop (xrf0)  }
0x2c: {  	v12 =	vbroadcast v12, $0xF;
	_ =	sdelay $0x1  }
0x2d: {  	v11 =	vsub.f32 v11, v12;
	_ =	sdelay $0x1  }
0x2e: {  	v11 =	vmul.f32 $1.442695020e+00, v11;
	_ =	sdelay $0x1  }
0x2f: {  	(erf) = vpow2.f32 v11;
	_ =	sdelay $0x8  }
0x30: {  	v11 =	vpop (erf)  }
0x31: {  	v11 =	vnsel vm0, $0x0, v11  }
0x32: {  	(xrf2) =	vadd.scan.msk.f32 $0xffff, v11;
	_ =	sdelay $0x9  }
0x33: {  	v12, _, _ =	vpop (xrf2)  }
0x34: {  	v12 =	vbroadcast v12, $0xF;
	_ =	sdelay $0x1  }
0x35: {  	(erf) = vrcp.f32 v12;
	_ =	sdelay $0x5  }
0x36: {  	s11 =	simm.s32 $0x1;
	v13 =	vshll.u32 v9, $0x3  }
0x37: {  	v9 =	vmov s11;
	v12 =	vadd.s32 v0, v13  }
0x38: {  	s11 =	simm.s32 $0x2;
	v13 =	vand.u32 $0x3FF, v9  }
.LBB2_2:
0x39: {  	p0 =	sne.s32 s11, $0x3FF;
	v14 =	vor.u32 v6, v13;
	v15 =	vpop (erf)  }
0x3a: {  	v16 =	vor.u32 v4, v13;
	v11 =	vmul.f32 v15, v11  }
0x3b: {  	v15 =	vor.u32 v2, v13  }
0x3c: {  	[tilespmem:v12+s8+$0x0] =	vst.idx.msk $0xff, v11  }
0x3d: {  	v11 =	vor.u32 v1, v13;
	[tilespmem:v12+s9+$0x0] =	vst.idx.msk $0xff, v10  }
0x3e: {  	v10 =	vld.idx.msk [tilespmem:v14+s2+$0x0], $0xffff  }
0x3f: {  	v12 =	vld.idx.msk [tilespmem:v16+s2+$0x0], $0xffff  }
0x40: {  	v13 =	vld.idx.msk [tilespmem:v15+s2+$0x0], $0xffff;
	_ =	sdelay $0x1  }
0x41: {  	v11 =	vld.idx.msk [tilespmem:v11+s2+$0x0], $0xffff;
	_ =	sdelay $0x1  }
0x42: {  	(xrf1) =	vsort.dscd.msk.f32 $0xffff, v10, v7  }
0x43: {  	(xrf1) =	vsort.dscd.msk.f32 $0xffff, v12, v5  }
0x44: {  	(xrf1) =	vsort.dscd.msk.f32 $0xffff, v13, v3;
	_ =	sdelay $0x1  }
0x45: {  	(xrf1) =	vsort.dscd.msk.f32 $0xffff, v11, v0;
	_ =	sdelay $0x9  }
0x46: {  	v10, v11, _ =	vpop (xrf1)  }
0x47: {  	v10 =	vperm.xlane v10, v8;
	v12, v13, _ =	vpop (xrf1)  }
0x48: {  	v11 =	vperm.xlane v11, v8;
	v14, v15, _ =	vpop (xrf1)  }
0x49: {  	v14 =	vperm.xlane v14, v8;
	vm1 =	vgt.f32 v12, v10  }
0x4a: {  	v15 =	vperm.xlane v15, v8;
	v10 =	vsel vm1, v12, v10;
	v11 =	vsel vm1, v13, v11;
	v12, v13, _ =	vpop (xrf1)  }
0x4b: {  	vm1 =	vgt.f32 v12, v14;
	(xrf1) =	vsort.dscd.msk.f32 $0xffff, v10, v11  }
0x4c: {  	v10 =	vsel vm1, v12, v14;
	v11 =	vsel vm1, v13, v15  }
0x4d: {  	(xrf1) =	vsort.dscd.msk.f32 $0xffff, v10, v11;
	_ =	sdelay $0xb  }
0x4e: {  	v10, v11, _ =	vpop (xrf1)  }
0x4f: {  	v10 =	vperm.xlane v10, v8  }
0x50: {  	v11 =	vperm.xlane v11, v8;
	v12, v13, _ =	vpop (xrf1)  }
0x51: {  	vm1 =	vgt.f32 v12, v10  }
0x52: {  	v10 =	vsel vm1, v12, v10;
	v11 =	vsel vm1, v13, v11  }
0x53: {  	(xrf1) =	vsort.dscd.msk.f32 $0xffff, v10, v11;
	_ =	sdelay $0xd  }
0x54: {  	v11, v10, _ =	vpop (xrf1)  }
0x55: {  	(xrf0) =	vmax.scan.msk.f32 $0xffff, v11;
	_ =	sdelay $0x5  }
0x56: {  	v12, _, _ =	vpop (xrf0)  }
0x57: {  	v12 =	vbroadcast v12, $0xF;
	_ =	sdelay $0x1  }
0x58: {  	v11 =	vsub.f32 v11, v12;
	_ =	sdelay $0x1  }
0x59: {  	v11 =	vmul.f32 $1.442695020e+00, v11;
	_ =	sdelay $0x1  }
0x5a: {  	(erf) = vpow2.f32 v11;
	_ =	sdelay $0x8  }
0x5b: {  	v11 =	vpop (erf)  }
0x5c: {  	v11 =	vnsel vm0, $0x0, v11  }
0x5d: {  	(xrf2) =	vadd.scan.msk.f32 $0xffff, v11;
	_ =	sdelay $0x9  }
0x5e: {  	v12, _, _ =	vpop (xrf2)  }
0x5f: {  	v12 =	vbroadcast v12, $0xF;
	_ =	sdelay $0x1  }
0x60: {  	(erf) = vrcp.f32 v12;
	_ =	sdelay $0x3  }
.Ltmp0:
0x61: {  	(pc) =	sbr.rel @p0 .LBB2_2-.Ltmp0, $4  }
0x62: {  	_ = 	snop  }
0x63: {  	v12 =	vshll.u32 v9, $0x3  }
0x64: {  	v9 =	vmov s11;
	v12 =	vadd.s32 v0, v12  }
0x65: {  	s11 =	sadd.s32 $0x1, s11;
	v13 =	vand.u32 $0x3FF, v9  }
0x66: {  	_ = 	snop  }
0x67: {  	v14 =	vor.u32 v6, v13;
	v15 =	vpop (erf)  }
0x68: {  	v16 =	vor.u32 v4, v13;
	v11 =	vmul.f32 v15, v11  }
0x69: {  	v53 =	vor.u32 v2, v13  }
0x6a: {  	[tilespmem:v12+s8+$0x0] =	vst.idx.msk $0xff, v11  }
0x6b: {  	v11 =	vor.u32 v1, v13;
	[tilespmem:v12+s9+$0x0] =	vst.idx.msk $0xff, v10  }
0x6c: {  	v10 =	vld.idx.msk [tilespmem:v14+s2+$0x0], $0xffff  }
0x6d: {  	v12 =	vld.idx.msk [tilespmem:v16+s2+$0x0], $0xffff  }
0x6e: {  	v54 =	vld.idx.msk [tilespmem:v53+s2+$0x0], $0xffff;
	_ =	sdelay $0x1  }
0x6f: {  	v11 =	vld.idx.msk [tilespmem:v11+s2+$0x0], $0xffff  }
0x70: {  	(xrf1) =	vsort.dscd.msk.f32 $0xffff, v10, v7  }
0x71: {  	(xrf1) =	vsort.dscd.msk.f32 $0xffff, v12, v5  }
0x72: {  	(xrf1) =	vsort.dscd.msk.f32 $0xffff, v54, v3;
	_ =	sdelay $0x1  }
0x73: {  	(xrf1) =	vsort.dscd.msk.f32 $0xffff, v11, v0;
	_ =	sdelay $0x9  }
0x74: {  	v10, v11, _ =	vpop (xrf1)  }
0x75: {  	v10 =	vperm.xlane v10, v8;
	v12, v55, _ =	vpop (xrf1)  }
0x76: {  	v11 =	vperm.xlane v11, v8;
	v56, v57, _ =	vpop (xrf1)  }
0x77: {  	v14 =	vperm.xlane v56, v8;
	vm1 =	vgt.f32 v12, v10  }
0x78: {  	v15 =	vperm.xlane v57, v8;
	v58, v59, _ =	vpop (xrf1);
	v10 =	vsel vm1, v12, v10;
	v11 =	vsel vm1, v55, v11  }
0x79: {  	vm1 =	vgt.f32 v58, v14;
	(xrf1) =	vsort.dscd.msk.f32 $0xffff, v10, v11  }
0x7a: {  	v10 =	vsel vm1, v58, v14;
	v11 =	vsel vm1, v59, v15  }
0x7b: {  	(xrf1) =	vsort.dscd.msk.f32 $0xffff, v10, v11;
	_ =	sdelay $0xb  }
0x7c: {  	v10, v11, _ =	vpop (xrf1)  }
0x7d: {  	v10 =	vperm.xlane v10, v8  }
0x7e: {  	v11 =	vperm.xlane v11, v8;
	v60, v61, _ =	vpop (xrf1)  }
0x7f: {  	vm1 =	vgt.f32 v60, v10  }
0x80: {  	v10 =	vsel vm1, v60, v10;
	v11 =	vsel vm1, v61, v11  }
0x81: {  	(xrf1) =	vsort.dscd.msk.f32 $0xffff, v10, v11;
	_ =	sdelay $0xd  }
0x82: {  	v10, v11, _ =	vpop (xrf1)  }
0x83: {  	(xrf0) =	vmax.scan.msk.f32 $0xffff, v10;
	_ =	sdelay $0x5  }
0x84: {  	v62, _, _ =	vpop (xrf0)  }
0x85: {  	v12 =	vbroadcast v62, $0xF;
	_ =	sdelay $0x1  }
0x86: {  	v10 =	vsub.f32 v10, v12;
	_ =	sdelay $0x1  }
0x87: {  	v10 =	vmul.f32 $1.442695020e+00, v10;
	_ =	sdelay $0x1  }
0x88: {  	(erf) = vpow2.f32 v10;
	_ =	sdelay $0x8  }
0x89: {  	v10 =	vpop (erf)  }
0x8a: {  	v10 =	vnsel vm0, $0x0, v10  }
0x8b: {  	(xrf2) =	vadd.scan.msk.f32 $0xffff, v10;
	_ =	sdelay $0x9  }
0x8c: {  	v63, _, _ =	vpop (xrf2)  }
0x8d: {  	v12 =	vbroadcast v63, $0xF;
	_ =	sdelay $0x1  }
0x8e: {  	(erf) = vrcp.f32 v12;
	_ =	sdelay $0x5  }
0x8f: {  	v9 =	vshll.u32 v9, $0x3  }
0x90: {  	v9 =	vadd.s32 v0, v9;
	_ =	sdelay $0x1  }
0x91: {  	v12 =	vpop (erf)  }
0x92: {  	v10 =	vmul.f32 v12, v10;
	_ =	sdelay $0x1  }
0x93: {  	[tilespmem:v9+s8+$0x0] =	vst.idx.msk $0xff, v10  }
0x94: {  	[tilespmem:v9+s9+$0x0] =	vst.idx.msk $0xff, v11  }
0x95: {  	[hbm4b:s4+s2] =	stream.linear.scatter [tilespmem:s8], [sflag:$0x1], $0x2000, $0x38;
	[tilespmem:$0x14000] =	vst v63  }
0x96: {  	s10 =	sadd.s32 $0x1, s10;
	_ =	swait.ge [sflag:s7], $0x2000  }
0x97: {  	p0 =	sne.s32 s10, s6;
	[sflag:s7] =	ssyncset.done $0x0  }
.Ltmp1:
0x98: {  	[sflag:s7] =	ssyncadd.s32 $0xFFFFE000;
	(pc) =	sbr.rel @p0 .LBB2_1-.Ltmp1, $4  }
0x99: {  	[hbm4b:s5+s2] =	stream.linear.scatter [tilespmem:s9], [sflag:$0x1], $0x2000, $0x38;
	[tilespmem:$0x14000] =	vst v63  }
0x9a: {  	_ =	swait.ge [sflag:s7], $0x2000  }
0x9b: {  	[sflag:s7] =	ssyncset.done $0x0  }
0x9c: {  	[sflag:s7] =	ssyncadd.s32 $0xFFFFE000  }
0x9d: {  	_ =	sfence.sel $0x180000  }
0x9e: {  	[bflag:$0x0] =	sbarrier.arrive $0xFFFF  }
0x9f: {  	p0 =	sne.s32 s1, $0x0;
	_ =	strace $0x90000047  }
0xa0: {  	s0 =	sadd.s32 @!p0 $0x100000, s0;
	[bflag:$0x2] =	sbarrier.arrive $0xFFFF  }
0xa1: {  	[sflag:s0] =	ssyncadd.tile.s32 @!p0 $0x1;
	_ =	shalt  }
.Lfunc_end2:
_tile_overlayer_lowered:
.L_overlay_start_2:
0xa2: {  	(tag) =	ssettag $0x2  }
0xa3: {  	s0 =	rddreg [dreg:$0x0];
	s2 =	stileid.u32  }
0xa4: {  	s1 =	rddreg [dreg:$0x1];
	p0 =	sne.s32 s2, $0x0  }
0xa5: {  	s3 =	rddreg [dreg:$0x2];
	[bflag:$0x3] =	sbarrier.arrive $0xFFFF;
	s2 =	simm.s32 @!p0 $0x1C01  }
0xa6: {  	[timem:s3], [sflag:s2] =	dma.local @!p0 [hbm:s0], s1  }
0xa7: {  	s0 =	simm.s32 @!p0 $0x1  }
0xa8: {  	_ =	swait.ge @!p0 [sflag:s0], s1  }
0xa9: {  	s1 =	ssub.s32 @!p0 $0x0, s1;
	[sflag:s0] =	ssyncset.done @!p0 $0x0  }
0xaa: {  	[sflag:s0] =	ssyncadd.s32 @!p0 s1  }
0xab: {  	[bflag:$0x3] =	sbarrier.arrive $0xFFFF  }
0xac: {  	_ =	shalt  }

</sc_bundles>
